<compile_context>
chip_gen: v7x
topology: tpu7x:2x2x1
jax: 0.10.2.dev20260603
libtpu: 0.0.44.dev20260713+nightly
codegen_flags: <defaults>
</compile_context>

<pallas_src>
import functools

import jax
import jax.numpy as jnp
from jax import lax
from jax.experimental import pallas as pl
from jax.experimental.pallas import tpu as pltpu
from jax.experimental.pallas import tpu_sc as plsc

N = 10000
E = 320000
D = 128

NC = 2
NS = 16
NW = NC * NS
EPW = E // NW
CH = 80
NCH = EPW // CH
NROWS = 10240
RPT = NROWS // NS
ZR = 128
DPT = 640
NPAD = NS * DPT

f32 = jnp.float32

_mesh = plsc.VectorSubcoreMesh(
    core_axis_name="c", subcore_axis_name="s", num_cores=NC, num_subcores=NS
)



def _deg_body(dst_hbm, out_hbm, idx_v, ones_v, zb_v, dacc, sem):
    c = lax.axis_index("c")
    s = lax.axis_index("s")
    wid = s * NC + c

    @pl.loop(0, CH // 16)
    def _(j):
        ones_v[pl.ds(j * 16, 16)] = jnp.ones((16,), f32)

    @pl.loop(0, DPT // 16)
    def _(j):
        zb_v[pl.ds(j * 16, 16)] = jnp.zeros((16,), f32)

    pltpu.sync_copy(zb_v, dacc.at[pl.ds(s * DPT, DPT)])
    plsc.subcore_barrier()

    base = wid * EPW

    @pl.loop(0, NCH)
    def _(i):
        pltpu.sync_copy(dst_hbm.at[pl.ds(base + i * CH, CH)], idx_v)
        pltpu.sync_copy(ones_v, dacc.at[idx_v], add=True)

    plsc.subcore_barrier()
    pltpu.sync_copy(dacc.at[pl.ds(s * DPT, DPT)],
                    out_hbm.at[c, pl.ds(s * DPT, DPT)])


@jax.jit
def _sc_degree(dst):
    return pl.kernel(
        _deg_body,
        out_type=jax.ShapeDtypeStruct((NC, NPAD), f32),
        mesh=_mesh,
        scratch_types=[
            pltpu.VMEM((CH,), jnp.int32),
            pltpu.VMEM((CH,), f32),
            pltpu.VMEM((DPT,), f32),
            pltpu.VMEM_SHARED((NPAD,), f32),
            pltpu.SemaphoreType.DMA,
        ],
    )(dst)



def _segsum_body(y_hbm, src_hbm, dst_hbm, out_hbm,
                 sidx, didx, rows, zb, acc, sem):
    c = lax.axis_index("c")
    s = lax.axis_index("s")
    wid = s * NC + c

    @pl.loop(0, ZR)
    def _(r):
        for j in range(D // 16):
            zb[r, pl.ds(j * 16, 16)] = jnp.zeros((16,), f32)

    @pl.loop(0, RPT // ZR)
    def _(k):
        pltpu.sync_copy(zb, acc.at[pl.ds(s * RPT + k * ZR, ZR)])

    plsc.subcore_barrier()

    base = wid * EPW

    @pl.loop(0, NCH)
    def _(i):
        pltpu.sync_copy(src_hbm.at[pl.ds(base + i * CH, CH)], sidx)
        pltpu.sync_copy(dst_hbm.at[pl.ds(base + i * CH, CH)], didx)
        pltpu.async_copy(y_hbm.at[sidx], rows, sem).wait()
        pltpu.sync_copy(rows, acc.at[didx], add=True)

    plsc.subcore_barrier()
    pltpu.sync_copy(acc.at[pl.ds(s * RPT, RPT)],
                    out_hbm.at[c, pl.ds(s * RPT, RPT)])


@jax.jit
def _sc_segsum(y, src, dst):
    return pl.kernel(
        _segsum_body,
        out_type=jax.ShapeDtypeStruct((NC, NROWS, D), f32),
        mesh=_mesh,
        scratch_types=[
            pltpu.VMEM((CH,), jnp.int32),
            pltpu.VMEM((CH,), jnp.int32),
            pltpu.VMEM((CH, D), f32),
            pltpu.VMEM((ZR, D), f32),
            pltpu.VMEM_SHARED((NROWS, D), f32),
            pltpu.SemaphoreType.DMA,
        ],
    )(y, src, dst)



BR = 400
GRID = N // BR


def _s1_body(x_ref, w_ref, d0_ref, d1_ref, xw_ref, y_ref, dinv_ref):
    xw = jnp.dot(x_ref[...], w_ref[...], preferred_element_type=f32)
    dinv = lax.rsqrt(d0_ref[...] + d1_ref[...] + 1.0)
    xw_ref[...] = xw
    y_ref[...] = xw * dinv
    dinv_ref[...] = dinv


@jax.jit
def _tc_stage1(x, W1, d0, d1):
    return pl.pallas_call(
        _s1_body,
        grid=(GRID,),
        in_specs=[
            pl.BlockSpec((BR, D), lambda i: (i, 0)),
            pl.BlockSpec((D, D), lambda i: (0, 0)),
            pl.BlockSpec((BR, 1), lambda i: (i, 0)),
            pl.BlockSpec((BR, 1), lambda i: (i, 0)),
        ],
        out_specs=[
            pl.BlockSpec((BR, D), lambda i: (i, 0)),
            pl.BlockSpec((BR, D), lambda i: (i, 0)),
            pl.BlockSpec((BR, 1), lambda i: (i, 0)),
        ],
        out_shape=[
            jax.ShapeDtypeStruct((N, D), f32),
            jax.ShapeDtypeStruct((N, D), f32),
            jax.ShapeDtypeStruct((N, 1), f32),
        ],
    )(x, W1, d0, d1)


def _s2_body(s0_ref, s1_ref, xw1_ref, dinv_ref, b1_ref, w2_ref,
             xw2_ref, y2_ref):
    dinv = dinv_ref[...]
    h = (s0_ref[...] + s1_ref[...]) * dinv \
        + xw1_ref[...] * (dinv * dinv) + b1_ref[...]
    h = jnp.maximum(h, 0.0)
    xw2 = jnp.dot(h, w2_ref[...], preferred_element_type=f32)
    xw2_ref[...] = xw2
    y2_ref[...] = xw2 * dinv


@jax.jit
def _tc_stage2(s0, s1, xw1, dinv, b1, W2):
    return pl.pallas_call(
        _s2_body,
        grid=(GRID,),
        in_specs=[
            pl.BlockSpec((BR, D), lambda i: (i, 0)),
            pl.BlockSpec((BR, D), lambda i: (i, 0)),
            pl.BlockSpec((BR, D), lambda i: (i, 0)),
            pl.BlockSpec((BR, 1), lambda i: (i, 0)),
            pl.BlockSpec((1, D), lambda i: (0, 0)),
            pl.BlockSpec((D, D), lambda i: (0, 0)),
        ],
        out_specs=[
            pl.BlockSpec((BR, D), lambda i: (i, 0)),
            pl.BlockSpec((BR, D), lambda i: (i, 0)),
        ],
        out_shape=[
            jax.ShapeDtypeStruct((N, D), f32),
            jax.ShapeDtypeStruct((N, D), f32),
        ],
    )(s0, s1, xw1, dinv, b1, W2)


def _s3_body(s0_ref, s1_ref, xw2_ref, dinv_ref, b2_ref, out_ref):
    dinv = dinv_ref[...]
    out_ref[...] = (s0_ref[...] + s1_ref[...]) * dinv \
        + xw2_ref[...] * (dinv * dinv) + b2_ref[...]


@jax.jit
def _tc_stage3(s0, s1, xw2, dinv, b2):
    return pl.pallas_call(
        _s3_body,
        grid=(GRID,),
        in_specs=[
            pl.BlockSpec((BR, D), lambda i: (i, 0)),
            pl.BlockSpec((BR, D), lambda i: (i, 0)),
            pl.BlockSpec((BR, D), lambda i: (i, 0)),
            pl.BlockSpec((BR, 1), lambda i: (i, 0)),
            pl.BlockSpec((1, D), lambda i: (0, 0)),
        ],
        out_specs=pl.BlockSpec((BR, D), lambda i: (i, 0)),
        out_shape=jax.ShapeDtypeStruct((N, D), f32),
    )(s0, s1, xw2, dinv, b2)



def kernel(x, edge_index, W1, b1, W2, b2):
    src = edge_index[0].astype(jnp.int32)
    dst = edge_index[1].astype(jnp.int32)

    degp = _sc_degree(dst)
    d0 = degp[0, :N].reshape(N, 1)
    d1 = degp[1, :N].reshape(N, 1)

    xw1, y1, dinv = _tc_stage1(x, W1, d0, d1)

    s1p = _sc_segsum(y1, src, dst)
    xw2, y2 = _tc_stage2(s1p[0, :N], s1p[1, :N], xw1, dinv,
                         b1.reshape(1, D), W2)

    s2p = _sc_segsum(y2, src, dst)
    out = _tc_stage3(s2p[0, :N], s2p[1, :N], xw2, dinv, b2.reshape(1, D))
    return out

# --- scband reference (transcript-rebuilt; emitter-appended) ---
"""Pipeline reference for scband-course-gnn-27943057228202 (READ-ONLY COPY).

The authoritative reference and input builder live on the scoring server;
editing this copy changes nothing except your own understanding.
"""

import jax, jax.numpy as jnp
import numpy as np

N_NODES = 10000
N_EDGES = 320000
D_IN = 128
D_HID = 128
D_OUT = 128


def gcn_conv(x, edge_index, W, b):
    num_nodes = x.shape[0]
    src = edge_index[0]
    dst = edge_index[1]
    # add self loops (PyG GCNConv default add_self_loops=True)
    loop = jnp.arange(num_nodes, dtype=src.dtype)
    src = jnp.concatenate([src, loop])
    dst = jnp.concatenate([dst, loop])
    # symmetric normalization: deg computed on dst (col) with unit edge weights
    deg = jnp.zeros((num_nodes,), dtype=x.dtype).at[dst].add(1.0)
    deg_inv_sqrt = jnp.where(deg > 0, deg ** -0.5, 0.0)
    norm = deg_inv_sqrt[src] * deg_inv_sqrt[dst]
    # linear transform first, then propagate (gather -> scale -> scatter-add)
    xw = x @ W
    msg = xw[src] * norm[:, None]
    out = jnp.zeros((num_nodes, W.shape[1]), dtype=x.dtype).at[dst].add(msg)
    return out + b


def setup_inputs(seed: int = 0) -> dict:
    key = jax.random.key(seed)
    k1, k2, k3, k4, k5, k6 = jax.random.split(key, 6)
    x = jax.random.normal(k1, (N_NODES, D_IN), dtype=jnp.float32)
    edge_index = jax.random.randint(k2, (2, N_EDGES), 0, N_NODES, dtype=jnp.int64)
    s1 = 1.0 / np.sqrt(D_IN)
    s2 = 1.0 / np.sqrt(D_HID)
    W1 = jax.random.uniform(k3, (D_IN, D_HID), dtype=jnp.float32, minval=-s1, maxval=s1)
    b1 = jax.random.uniform(k4, (D_HID,), dtype=jnp.float32, minval=-s1, maxval=s1)
    W2 = jax.random.uniform(k5, (D_HID, D_OUT), dtype=jnp.float32, minval=-s2, maxval=s2)
    b2 = jax.random.uniform(k6, (D_OUT,), dtype=jnp.float32, minval=-s2, maxval=s2)
    return {"x": x, "edge_index": edge_index, "W1": W1, "b1": b1, "W2": W2, "b2": b2}


def reference(x, edge_index, W1, b1, W2, b2):
    h = gcn_conv(x, edge_index, W1, b1)
    h = jax.nn.relu(h)
    out = gcn_conv(h, edge_index, W2, b2)
    return out

if __name__ == "__main__":
    import jax
    _d = setup_inputs()
    print(jax.jit(kernel)(*tuple(_d.values())))

</pallas_src>

<mosaic_0001>
#map = affine_map<(d0, d1) -> (0)>
#map1 = affine_map<(d0, d1) -> (0, 0)>
module attributes {stable_mosaic.version = 14 : i64} {
  func.func @_deg_body(%arg0: i32, %arg1: i32, %arg2: memref<320000xi32, #tpu.memory_space<hbm>>, %arg3: memref<2x10240xf32, #tpu.memory_space<hbm>>, %arg4: memref<80xi32, #tpu.memory_space<vmem>>, %arg5: memref<80xf32, #tpu.memory_space<vmem>>, %arg6: memref<640xf32, #tpu.memory_space<vmem>>, %arg7: memref<10240xf32, #tpu.memory_space<vmem_shared>>, %arg8: memref<!tpu.dma_semaphore, #tpu.memory_space<semaphore_mem>>) attributes {dimension_semantics = [#tpu.dimension_semantics<core_parallel>, #tpu.dimension_semantics<subcore_parallel>], iteration_bounds = array<i64: 2, 16>, scalar_prefetch = 0 : i64, scratch_operands = 5 : i64, tpu.core_type = #tpu.core_type<sc_vector_subcore>, window_params = [{transform_indices = #map}, {transform_indices = #map1}]} {
    %mul3A = arith.constant 2 : i32
    %mul3A_0 = arith.muli %arg1, %mul3A : i32
    %add3A = arith.addi %mul3A_0, %arg0 : i32
    %scan3A = arith.constant 0 : i32
    %scan3A_1 = arith.constant 5 : i32
    %scan3A_2 = arith.addi %scan3A, %scan3A_1 : i32
    %scan3A_3 = arith.constant 1 : i32
    scf.for %scan3A_24 = %scan3A to %scan3A_2 step %scan3A_3  : i32 {
      %mul3A_25 = arith.constant 1 : i32
      %mul3A_26 = arith.muli %scan3A_24, %mul3A_25 : i32
      %add3A_27 = arith.constant 0 : i32
      %add3A_28 = arith.addi %add3A_27, %mul3A_26 : i32
      %broadcast_in_dim3A = arith.constant 1.000000e+00 : f32
      %broadcast_in_dim3A_29 = vector.broadcast %broadcast_in_dim3A : f32 to vector<16xf32>
      %mul3A_30 = arith.constant 16 : i32
      %mul3A_31 = arith.muli %add3A_28, %mul3A_30 : i32
      %swap3A = arith.index_cast %mul3A_31 : i32 to index
      %swap3A_32 = tpu.vector_load %arg5[%swap3A] {strides = array<i32>} : memref<80xf32, #tpu.memory_space<vmem>>, vector<16xf32>,
      %swap3A_33 = vector.shape_cast %swap3A_32 : vector<16xf32> to vector<16xf32>
      %swap3A_34 = vector.shape_cast %broadcast_in_dim3A_29 : vector<16xf32> to vector<16xf32>
      tpu.vector_store %arg5[%swap3A], %swap3A_34 {strides = array<i32>} : memref<80xf32, #tpu.memory_space<vmem>>, vector<16xf32>,
    }
    %scan3A_4 = arith.constant 5 : i32
    %scan3A_5 = arith.constant 0 : i32
    %scan3A_6 = arith.constant 40 : i32
    %scan3A_7 = arith.addi %scan3A_5, %scan3A_6 : i32
    %scan3A_8 = arith.constant 1 : i32
    scf.for %scan3A_24 = %scan3A_5 to %scan3A_7 step %scan3A_8  : i32 {
      %mul3A_25 = arith.constant 1 : i32
      %mul3A_26 = arith.muli %scan3A_24, %mul3A_25 : i32
      %add3A_27 = arith.constant 0 : i32
      %add3A_28 = arith.addi %add3A_27, %mul3A_26 : i32
      %broadcast_in_dim3A = arith.constant 0.000000e+00 : f32
      %broadcast_in_dim3A_29 = vector.broadcast %broadcast_in_dim3A : f32 to vector<16xf32>
      %mul3A_30 = arith.constant 16 : i32
      %mul3A_31 = arith.muli %add3A_28, %mul3A_30 : i32
      %swap3A = arith.index_cast %mul3A_31 : i32 to index
      %swap3A_32 = tpu.vector_load %arg6[%swap3A] {strides = array<i32>} : memref<640xf32, #tpu.memory_space<vmem>>, vector<16xf32>,
      %swap3A_33 = vector.shape_cast %swap3A_32 : vector<16xf32> to vector<16xf32>
      %swap3A_34 = vector.shape_cast %broadcast_in_dim3A_29 : vector<16xf32> to vector<16xf32>
      tpu.vector_store %arg6[%swap3A], %swap3A_34 {strides = array<i32>} : memref<640xf32, #tpu.memory_space<vmem>>, vector<16xf32>,
    }
    %scan3A_9 = arith.constant 40 : i32
    %mul3A_10 = arith.constant 640 : i32
    %mul3A_11 = arith.muli %arg1, %mul3A_10 : i32
    "tpu.region"() ({
      %run_scoped3A = tpu.sem_alloc : memref<!tpu.dma_semaphore, #tpu.memory_space<semaphore_mem>>
      %dma_start3A = tpu.memref_slice %arg7[%mul3A_11] : memref<10240xf32, #tpu.memory_space<vmem_shared>> -> memref<640xf32, #tpu.memory_space<vmem_shared>>
      %dma_start3A_24 = tpu.memref_slice %arg7[%mul3A_11] : memref<10240xf32, #tpu.memory_space<vmem_shared>> -> memref<640xf32, #tpu.memory_space<vmem_shared>>
      tpu.enqueue_dma source(%arg6 : memref<640xf32, #tpu.memory_space<vmem>>) target(%dma_start3A_24 : memref<640xf32, #tpu.memory_space<vmem_shared>>) target_semaphore(%run_scoped3A : memref<!tpu.dma_semaphore, #tpu.memory_space<semaphore_mem>>)
      %dma_wait3A = tpu.memref_slice %arg7[%mul3A_11] : memref<10240xf32, #tpu.memory_space<vmem_shared>> -> memref<640xf32, #tpu.memory_space<vmem_shared>>
      %dma_wait3A_25 = tpu.memref_slice %arg7[%mul3A_11] : memref<10240xf32, #tpu.memory_space<vmem_shared>> -> memref<640xf32, #tpu.memory_space<vmem_shared>>
      tpu.wait_dma2 semaphore(%run_scoped3A : memref<!tpu.dma_semaphore, #tpu.memory_space<semaphore_mem>>) src(%arg6 : memref<640xf32, #tpu.memory_space<vmem>>) dst(%dma_wait3A_25 : memref<640xf32, #tpu.memory_space<vmem_shared>>)
      tpu.yield
    }) : () -> ()
    %barrier3A = arith.constant 0 : index
    tpu.barrier barrier_id(%barrier3A)
    %mul3A_12 = arith.constant 10000 : i32
    %mul3A_13 = arith.muli %add3A, %mul3A_12 : i32
    %scan3A_14 = arith.constant 0 : i32
    %scan3A_15 = arith.constant 125 : i32
    %scan3A_16 = arith.addi %scan3A_14, %scan3A_15 : i32
    %scan3A_17 = arith.constant 1 : i32
    scf.for %scan3A_24 = %scan3A_14 to %scan3A_16 step %scan3A_17  : i32 {
      %mul3A_25 = arith.constant 1 : i32
      %mul3A_26 = arith.muli %scan3A_24, %mul3A_25 : i32
      %add3A_27 = arith.constant 0 : i32
      %add3A_28 = arith.addi %add3A_27, %mul3A_26 : i32
      %mul3A_29 = arith.constant 80 : i32
      %mul3A_30 = arith.muli %add3A_28, %mul3A_29 : i32
      %add3A_31 = arith.addi %mul3A_13, %mul3A_30 : i32
      "tpu.region"() ({
        %run_scoped3A = tpu.sem_alloc : memref<!tpu.dma_semaphore, #tpu.memory_space<semaphore_mem>>
        %dma_start3A = tpu.memref_slice %arg2[%add3A_31] : memref<320000xi32, #tpu.memory_space<hbm>> -> memref<80xi32, #tpu.memory_space<hbm>>
        %dma_start3A_32 = tpu.memref_slice %arg2[%add3A_31] : memref<320000xi32, #tpu.memory_space<hbm>> -> memref<80xi32, #tpu.memory_space<hbm>>
        tpu.enqueue_dma source(%dma_start3A_32 : memref<80xi32, #tpu.memory_space<hbm>>) target(%arg4 : memref<80xi32, #tpu.memory_space<vmem>>) target_semaphore(%run_scoped3A : memref<!tpu.dma_semaphore, #tpu.memory_space<semaphore_mem>>)
        %dma_wait3A = tpu.memref_slice %arg2[%add3A_31] : memref<320000xi32, #tpu.memory_space<hbm>> -> memref<80xi32, #tpu.memory_space<hbm>>
        %dma_wait3A_33 = tpu.memref_slice %arg2[%add3A_31] : memref<320000xi32, #tpu.memory_space<hbm>> -> memref<80xi32, #tpu.memory_space<hbm>>
        tpu.wait_dma2 semaphore(%run_scoped3A : memref<!tpu.dma_semaphore, #tpu.memory_space<semaphore_mem>>) src(%dma_wait3A_33 : memref<80xi32, #tpu.memory_space<hbm>>) dst(%arg4 : memref<80xi32, #tpu.memory_space<vmem>>)
        tpu.yield
      }) : () -> ()
      "tpu.region"() ({
        %run_scoped3A = tpu.sem_alloc : memref<!tpu.dma_semaphore, #tpu.memory_space<semaphore_mem>>
        %dma_start3A = arith.constant 0 : i32
        %dma_start3A_32 = tpu.memref_slice %arg7[%dma_start3A] : memref<10240xf32, #tpu.memory_space<vmem_shared>> -> memref<10240xf32, #tpu.memory_space<vmem_shared>>
        tpu.enqueue_indirect_dma source(%arg5 : memref<80xf32, #tpu.memory_space<vmem>>) target(%dma_start3A_32 : memref<10240xf32, #tpu.memory_space<vmem_shared>>) offsets(%arg4 : memref<80xi32, #tpu.memory_space<vmem>>) semaphore(%run_scoped3A : memref<!tpu.dma_semaphore, #tpu.memory_space<semaphore_mem>>) {add = true}
        %dma_wait3A = arith.constant 0 : i32
        %dma_wait3A_33 = tpu.memref_slice %arg7[%dma_wait3A] : memref<10240xf32, #tpu.memory_space<vmem_shared>> -> memref<10240xf32, #tpu.memory_space<vmem_shared>>
        tpu.wait_indirect_dma semaphore(%run_scoped3A : memref<!tpu.dma_semaphore, #tpu.memory_space<semaphore_mem>>) src(%arg5 : memref<80xf32, #tpu.memory_space<vmem>>) dst(%dma_wait3A_33 : memref<10240xf32, #tpu.memory_space<vmem_shared>>)
        tpu.yield
      }) : () -> ()
    }
    %scan3A_18 = arith.constant 125 : i32
    %barrier3A_19 = arith.constant 0 : index
    tpu.barrier barrier_id(%barrier3A_19)
    %mul3A_20 = arith.constant 640 : i32
    %mul3A_21 = arith.muli %arg1, %mul3A_20 : i32
    %mul3A_22 = arith.constant 640 : i32
    %mul3A_23 = arith.muli %arg1, %mul3A_22 : i32
    "tpu.region"() ({
      %run_scoped3A = tpu.sem_alloc : memref<!tpu.dma_semaphore, #tpu.memory_space<semaphore_mem>>
      %dma_start3A = tpu.memref_slice %arg3[%arg0, %mul3A_23] : memref<2x10240xf32, #tpu.memory_space<hbm>> -> memref<1x640xf32, #tpu.memory_space<hbm>>
      %dma_start3A_24 = tpu.memref_squeeze %dma_start3A : memref<1x640xf32, #tpu.memory_space<hbm>> -> memref<640xf32, #tpu.memory_space<hbm>>
      %dma_start3A_25 = tpu.memref_slice %arg7[%mul3A_21] : memref<10240xf32, #tpu.memory_space<vmem_shared>> -> memref<640xf32, #tpu.memory_space<vmem_shared>>
      tpu.enqueue_dma source(%dma_start3A_25 : memref<640xf32, #tpu.memory_space<vmem_shared>>) target(%dma_start3A_24 : memref<640xf32, #tpu.memory_space<hbm>>) target_semaphore(%run_scoped3A : memref<!tpu.dma_semaphore, #tpu.memory_space<semaphore_mem>>)
      %dma_wait3A = tpu.memref_slice %arg3[%arg0, %mul3A_23] : memref<2x10240xf32, #tpu.memory_space<hbm>> -> memref<1x640xf32, #tpu.memory_space<hbm>>
      %dma_wait3A_26 = tpu.memref_squeeze %dma_wait3A : memref<1x640xf32, #tpu.memory_space<hbm>> -> memref<640xf32, #tpu.memory_space<hbm>>
      %dma_wait3A_27 = tpu.memref_slice %arg7[%mul3A_21] : memref<10240xf32, #tpu.memory_space<vmem_shared>> -> memref<640xf32, #tpu.memory_space<vmem_shared>>
      tpu.wait_dma2 semaphore(%run_scoped3A : memref<!tpu.dma_semaphore, #tpu.memory_space<semaphore_mem>>) src(%dma_wait3A_27 : memref<640xf32, #tpu.memory_space<vmem_shared>>) dst(%dma_wait3A_26 : memref<640xf32, #tpu.memory_space<hbm>>)
      tpu.yield
    }) : () -> ()
    return
  }
}

</mosaic_0001>

<sc_bundles>
// kernel: _sc_degree.3.cloned.1.call-start
scs
__scs_entry_jumppad:
0x0: {  	(pc) =	sbr.rel $0x88, $3  }
0x1: {  	(tag) =	ssettag $0x0;
	lr =	simm.s32 $0x1  }
0x2: {  	[smem:$0x3FA0] =	sst lr;
	_ =	strace $0xD0000000  }
0x3: {  	_ = 	snop  }
0x4: {  	_ = 	snop  }
0x5: {  	_ = 	snop  }
0x6: {  	_ = 	snop  }
0x7: {  	_ = 	snop  }
__scs_overlays_trampoline_lowered:
0x8: {  	[smem:$0x3FAF] =	sst s0  }
0x9: {  	[smem:$0x3FB0] =	sst s1  }
0xa: {  	[smem:$0x3FB1] =	sst s2  }
0xb: {  	[smem:$0x3FB2] =	sst s3  }
0xc: {  	[smem:$0x3FB3] =	sst s4  }
0xd: {  	[smem:$0x3FB4] =	sst s5  }
0xe: {  	[smem:$0x3FB5] =	sst s6  }
0xf: {  	[smem:$0x3FB6] =	sst s7  }
0x10: {  	[smem:$0x3FB7] =	sst s8  }
0x11: {  	[smem:$0x3FB8] =	sst s9;
	s0 =	simm.s32 @!p0 $0x0  }
0x12: {  	s1 =	sld [smem:$0x3F9E];
	s0 =	simm.s32 @p0 $0x1  }
0x13: {  	[smem:$0x3FB9] =	sst s0;
	s0 =	simm.s32 @!p1 $0x0  }
0x14: {  	s2 =	sld [smem:$0x3F9D];
	s0 =	simm.s32 @p1 $0x1  }
0x15: {  	[smem:$0x3FBA] =	sst s0;
	s0 =	simm.s32 @!p2 $0x0  }
0x16: {  	s3 =	sld [smem:$0x3FDB];
	s0 =	simm.s32 @p2 $0x1  }
0x17: {  	s4 =	simm.s32 $0x1BF5;
	[smem:$0x3FBC] =	sst s0  }
0x18: {  	s0 =	sld [smem:$0x3F9F];
	_ =	swait.ge [sflag:s4], $0x0  }
0x19: {  	s7 =	sld [smem:$0x3FA0]  }
0x1a: {  	s8 =	sadd.s32 $0xFFFFE003, lr  }
0x1b: {  	s9 =	sadd.s32 $0xFFFFFEF7, lr;
	s5 =	simm.s32 $0xFFFFFFFF;
	p2 =	slt.u32 s8, $0xFFFFF086  }
0x1c: {  	p1 =	slt.u32 s9, $0xF7A;
	s5 =	simm.s32 @!p2 $0x0  }
0x1d: {  	s5 =	simm.s32 @p1 $0x1;
	p0 =	seq.s32 s7, s2  }
0x1e: {  	s7 =	smul.u32 @!p0 $0xF7A, s2;
	p2 =	seq.s32 @!p0 s5, $0x0  }
0x1f: {  	s9 =	smul.u32 $0xF7A, s1;
	s8 =	simm.s32 @!p0 $0x1BF5;
	p2 =	por !p2, p0  }
0x20: {  	[sflag:s8] =	ssyncset.s32 @!p0 $0xFFFFF086;
	s6 =	sadd.s32 @!p0 s3, s7;
	s7 =	simm.s32 @!p0 $0x108  }
0x21: {  	s3 =	sadd.s32 s3, s9;
	s6 =	sadd.s32 @!p0 $0x88, s6;
	s7 =	simm.s32 @p2 $0x1082  }
0x22: {  	[simem:s7], [sflag:s8] =	dma.local @!p0 [hbm:s6], $0xF7A  }
0x23: {  	s9 =	sor.u32 $0xD0000000, s2;
	s6 =	simm.s32 $0x108;
	_ =	swait.ge @!p0 [sflag:s8], $0x0  }
0x24: {  	s3 =	sadd.s32 $0x88, s3;
	s6 =	simm.s32 @!p1 $0x1082;
	[sflag:s4] =	ssyncset.s32 $0xFFFFF086  }
0x25: {  	[simem:s6], [sflag:s4] =	dma.local [hbm:s3], $0xF7A  }
0x26: {  	[smem:$0x3FA0] =	sst s1;
	(tag) =	ssettag s2;
	_ =	strace s9  }
0x27: {  	s1 =	sld [smem:$0x3FB0]  }
0x28: {  	s2 =	sld [smem:$0x3FB1]  }
0x29: {  	s4 =	sld [smem:$0x3FB3]  }
0x2a: {  	p0 =	seq.s32 s5, $0x0;
	s5 =	sld [smem:$0x3FB4]  }
0x2b: {  	s6 =	sld [smem:$0x3FB5]  }
0x2c: {  	s7 =	sld [smem:$0x3FB6]  }
0x2d: {  	s3 =	simm.s32 $0x108;
	s8 =	sld [smem:$0x3FB7]  }
0x2e: {  	s3 =	simm.s32 @!p0 $0x1082;
	s9 =	sld [smem:$0x3FB8]  }
0x2f: {  	lr =	sadd.s32 s0, s3;
	s0 =	sld [smem:$0x3FAF]  }
0x30: {  	s3 =	sld [smem:$0x3FB2]  }
0x31: {  	[smem:$0x3FBB] =	sst s10  }
0x32: {  	s10 =	sld [smem:$0x3FB9];
	_ =	sdelay $0x3  }
0x33: {  	p0 =	seq.s32 s10, $0x1;
	s10 =	sld [smem:$0x3FBB];
	_ =	sdelay $0x3  }
0x34: {  	[smem:$0x3FBB] =	sst s10  }
0x35: {  	s10 =	sld [smem:$0x3FBA];
	_ =	sdelay $0x3  }
0x36: {  	p1 =	seq.s32 s10, $0x1;
	s10 =	sld [smem:$0x3FBB];
	_ =	sdelay $0x3  }
0x37: {  	[smem:$0x3FBB] =	sst s10  }
0x38: {  	s10 =	sld [smem:$0x3FBC]  }
0x39: {  	_ = 	snop;
	(pc) =	sbr.ind lr, $3  }
0x3a: {  	_ = 	snop  }
0x3b: {  	_ = 	snop  }
0x3c: {  	p2 =	seq.s32 s10, $0x1;
	s10 =	sld [smem:$0x3FBB]  }
0x3d: {  	_ =	shalt  }
0x3e: {  	_ =	shalt  }
0x3f: {  	_ =	shalt  }
0x40: {  	_ =	shalt  }
0x41: {  	_ =	shalt  }
0x42: {  	_ =	shalt  }
0x43: {  	_ =	shalt  }
0x44: {  	_ =	shalt  }
0x45: {  	_ =	shalt  }
0x46: {  	_ =	shalt  }
0x47: {  	_ =	shalt  }
0x48: {  	_ =	shalt  }
0x49: {  	_ =	shalt  }
0x4a: {  	_ =	shalt  }
0x4b: {  	_ =	shalt  }
0x4c: {  	_ =	shalt  }
0x4d: {  	_ =	shalt  }
0x4e: {  	_ =	shalt  }
0x4f: {  	_ =	shalt  }
0x50: {  	_ =	shalt  }
0x51: {  	_ =	shalt  }
0x52: {  	_ =	shalt  }
0x53: {  	_ =	shalt  }
0x54: {  	_ =	shalt  }
0x55: {  	_ =	shalt  }
0x56: {  	_ =	shalt  }
0x57: {  	_ =	shalt  }
0x58: {  	_ =	shalt  }
0x59: {  	_ =	shalt  }
0x5a: {  	_ =	shalt  }
0x5b: {  	_ =	shalt  }
0x5c: {  	_ =	shalt  }
0x5d: {  	_ =	shalt  }
0x5e: {  	_ =	shalt  }
0x5f: {  	_ =	shalt  }
0x60: {  	_ =	shalt  }
0x61: {  	_ =	shalt  }
0x62: {  	_ =	shalt  }
0x63: {  	_ =	shalt  }
0x64: {  	_ =	shalt  }
0x65: {  	_ =	shalt  }
0x66: {  	_ =	shalt  }
0x67: {  	_ =	shalt  }
0x68: {  	_ =	shalt  }
0x69: {  	_ =	shalt  }
0x6a: {  	_ =	shalt  }
0x6b: {  	_ =	shalt  }
0x6c: {  	_ =	shalt  }
0x6d: {  	_ =	shalt  }
0x6e: {  	_ =	shalt  }
0x6f: {  	_ =	shalt  }
0x70: {  	_ =	shalt  }
0x71: {  	_ =	shalt  }
0x72: {  	_ =	shalt  }
0x73: {  	_ =	shalt  }
0x74: {  	_ =	shalt  }
0x75: {  	_ =	shalt  }
0x76: {  	_ =	shalt  }
0x77: {  	_ =	shalt  }
0x78: {  	_ =	shalt  }
0x79: {  	_ =	shalt  }
0x7a: {  	_ =	shalt  }
0x7b: {  	_ =	shalt  }
0x7c: {  	_ =	shalt  }
0x7d: {  	_ =	shalt  }
0x7e: {  	_ =	shalt  }
0x7f: {  	_ =	shalt  }
0x80: {  	_ =	shalt  }
0x81: {  	_ =	shalt  }
0x82: {  	_ =	shalt  }
0x83: {  	_ =	shalt  }
0x84: {  	_ =	shalt  }
0x85: {  	_ =	shalt  }
0x86: {  	_ =	shalt  }
0x87: {  	_ =	shalt  }
.Lfunc_end0:
.L_simem_size_0:
called_computation_lowered:
.L_overlay_start_0:
0x88: {  	s2 =	sld [smem:$0x3FD9]  }
0x89: {  	s3 =	sld [smem:$0x3FFE];
	_ =	sdelay $0x1  }
0x8a: {  	s1 =	srdreg.scid  }
0x8b: {  	s0 =	sand.u32 $0x1, s1  }
0x8c: {  	s18 =	sshll.u32 s0, $0xA;
	s2 =	sadd.s32 s3, s2  }
0x8d: {  	s2 =	sadd.s32 s2, s18  }
0x8e: {  	[smem:$0x3FC7] =	sst s2  }
0x8f: {  	_ = 	snop  }
0x90: {  	s2 =	sld [smem:$0x3FC9]  }
0x91: {  	s19 =	sld [smem:$0x3FD0];
	(tm) =	ssettm $0x1  }
0x92: {  	s4 =	sld [smem:$0x3FFB];
	_ =	sdelay $0x3  }
0x93: {  	_ =	strace s4  }
0x94: {  	s4 =	sld [smem:$0x3FFC];
	_ =	sdelay $0x3  }
0x95: {  	_ =	strace s4  }
0x96: {  	s4 =	sld [smem:$0x3FFD];
	_ =	sdelay $0x3  }
0x97: {  	_ =	strace s4  }
0x98: {  	_ =	strace $0x8FFFFFFF  }
0x99: {  	s20 =	sld [smem:$0x3FDB];
	_ =	sdelay $0x1  }
0x9a: {  	s5 =	simm.s32 $_scs_section_size  }
0x9b: {  	s6 =	simm.s32 $_size__tile_overlayer_lowered;
	s7 =	simm.s32 $_tile_overlayer_lowered  }
0x9c: {  	s23 =	simm.s32 $0x1BFF;
	s22 =	sshll.u32 s7, $0x1;
	s4 =	sadd.s32 s5, s20  }
0x9d: {  	s8 =	simm.s32 $0x0;
	s21 =	sshll.u32 s6, $0x1;
	s6 =	sadd.s32 s22, s4  }
0x9e: {  	[timem:s8], [sflag:s23] =	dma.local [hbm:s6], s21  }
0x9f: {  	_ =	swait.ge [sflag:s23], s21  }
0xa0: {  	s5 =	ssub.s32 $0x0, s21;
	[sflag:s23] =	ssyncset.done $0x0  }
0xa1: {  	[sflag:s23] =	ssyncadd.s32 s5;
	_ =	sdelay $0x1  }
0xa2: {  	s24 =	simm.s32 $0x1B8B  }
0xa3: {  	_ =	swait.ge [sflag:s24], $0x1  }
0xa4: {  	[sflag:s24] =	ssyncset.done $0x0  }
0xa5: {  	s25 =	simm.s32 $0x1B8E;
	[sflag:s24] =	ssyncadd.s32 $0xFFFFFFFF  }
0xa6: {  	s26 =	simm.s32 $execute0_lowered;
	[smem:$0x3FD2] =	sst s25  }
0xa7: {  	s5 =	sshll.u32 s26, $0x1;
	_ =	strace $0x80000046;
	[dreg:$0x1] =	wrdreg $0xFFFFFFFF  }
0xa8: {  	s28 =	simm.s32 $_size_execute0_lowered;
	s4 =	sadd.s32 s4, s5;
	[dreg:$0x0] =	wrdreg $0x0  }
0xa9: {  	s5 =	sshll.u32 s28, $0x1;
	[dreg:$0x2] =	wrdreg s4  }
0xaa: {  	[dreg:$0x3] =	wrdreg s5  }
0xab: {  	[dreg:$0x4] =	wrdreg $0xC0  }
0xac: {  	_ =	task [dreg:s8], $0x5FFFF  }
0xad: {  	[dreg:$0x1] =	wrdreg $0xFFFFFFFF  }
0xae: {  	[dreg:$0x0] =	wrdreg $0x60  }
0xaf: {  	[dreg:$0x2] =	wrdreg s2  }
0xb0: {  	[dreg:$0x3] =	wrdreg s19  }
0xb1: {  	[dreg:$0x4] =	wrdreg $0x3800  }
0xb2: {  	[dreg:$0x5] =	wrdreg $0x9  }
0xb3: {  	_ =	task.clear_ibuf [dreg:s8], $0x6FFFF;
	_ =	strace $0x90000046  }
0xb4: {  	s29 =	simm.s32 $0x9;
	_ =	strace $0x80000048  }
0xb5: {  	_ =	swait.ge [sflag:s29], $0x1  }
0xb6: {  	[sflag:s29] =	ssyncadd.s32 $0xFFFFFFFF  }
0xb7: {  	_ =	strace $0x90000048  }
0xb8: {  	_ =	sfence  }
0xb9: {  	s30 =	sld [smem:$0x0];
	_ =	sdelay $0x2  }
0xba: {  	s31 =	sshll.u32 s1, $0xD;
	s1 =	sshrl.u32 s1, $0x2  }
0xbb: {  	s3 =	sand.u32 $0x4000, s31;
	s1 =	sadd.s32 s1, s30  }
0xbc: {  	s0 =	sor.u32 s3, s0;
	s1 =	sshll.u32 s1, $0x11  }
0xbd: {  	s0 =	sor.u32 s1, s0  }
0xbe: {  	s0 =	sadd.s32 $0x8F2B, s0  }
0xbf: {  	[sflag:s0] =	ssyncadd.remote.s32 $0x1  }
0xc0: {  	_ =	sfence.sel $0xFFFF  }
0xc1: {  	[dreg:$0x0] =	wrdreg $0xFFFFFFFF;
	(pc) =	sbr.abs _section_cstart, $3  }
0xc2: {  	[dreg:$0x1] =	wrdreg $0xFFFFFFFF  }
0xc3: {  	_ =	task.clear_ibuf [dreg:s8], $0x2FFFF;
	_ =	strace $0x9FFFFFFF  }
0xc4: {  	(tm) =	ssettm $0x7FFFFFFF  }
0xc5: {  	_ =	shalt  }
tec
execute0_lowered:
.L_overlay_start_1:
0x0: {  	(tag) =	ssettag $0x1  }
0x1: {  	s7 =	rddreg [dreg:$0x0]  }
0x2: {  	s5 =	rddreg [dreg:$0x1]  }
0x3: {  	s2 =	rddreg [dreg:$0x2]  }
0x4: {  	s0 =	rddreg [dreg:$0x3]  }
0x5: {  	s1 =	stileid.u32;
	s4 =	srdreg.scid;
	s3 =	simm.s32 $0x0  }
0x6: {  	s14 =	simm.s32 $0x20;
	s15 =	simm.s32 $0x10;
	s6 =	smul.u32 $0xA00, s1  }
0x7: {  	s16 =	simm.s32 $0x0;
	s4 =	sand.u32 $0x1, s4;
	s8 =	smul.u32 $0x500, s1  }
0x8: {  	[smem:$0x7FF] =	sst s3;
	s10 =	smul.u32 $0x4E20, s1;
	s31 =	sshll.u32 s1, $0x6  }
0x9: {  	s9 =	ssub.s32 $0x2, s4;
	s12 =	sshll.u32 s4, $0x7;
	s4 =	smul.u32 $0x2710, s4  }
0xa: {  	_ =	strace $0x80000047;
	s11 =	sshrl.u32 s9, $0x1;
	s8 =	sor.u32 s12, s8  }
0xb: {  	s6 =	sshrl.u32 s6, $0x2;
	s12 =	sor.u32 $0x1C01, s31;
	s9 =	ssub.s32 s9, s11  }
0xc: {  	s8 =	sshrl.u32 s8, $0x3;
	s10 =	sadd.s32 s4, s10;
	s4 =	sadd.s32 s6, s2  }
0xd: {  	s11 =	simm.s32 $0x80;
	s5 =	sadd.s32 s5, s8;
	s30 =	sshrl.u32 s10, $0x3  }
0xe: {  	s6 =	smax.u32 s9, $0x1;
	s8 =	simm.s32 $0x100;
	s9 =	simm.s32 $0x1  }
0xf: {  	v0 =	vimm.f32 $1.000000000e+00;
	v1 =	vimm.f32 $0.0e+00;
	s10 =	simm.s32 $0x50;
	s13 =	sshrl.u32 s4, $0x3;
	s7 =	sadd.s32 s30, s7  }
.LBB2_1:
0x10: {  	[tilespmem:$0x80] =	vst v0  }
0x11: {  	[tilespmem:$0x90] =	vst v0  }
0x12: {  	[tilespmem:$0xA0] =	vst v0  }
0x13: {  	[tilespmem:$0xB0] =	vst v0  }
0x14: {  	[tilespmem:$0xC0] =	vst v0  }
0x15: {  	[tilespmem:$0x100] =	vst v1  }
0x16: {  	[tilespmem:$0x110] =	vst v1  }
0x17: {  	[tilespmem:$0x120] =	vst v1  }
0x18: {  	[tilespmem:$0x130] =	vst v1  }
0x19: {  	[tilespmem:$0x140] =	vst v1  }
0x1a: {  	[tilespmem:$0x150] =	vst v1  }
0x1b: {  	[tilespmem:$0x160] =	vst v1  }
0x1c: {  	[tilespmem:$0x170] =	vst v1  }
0x1d: {  	[tilespmem:$0x180] =	vst v1  }
0x1e: {  	[tilespmem:$0x190] =	vst v1  }
0x1f: {  	[tilespmem:$0x1A0] =	vst v1  }
0x20: {  	[tilespmem:$0x1B0] =	vst v1  }
0x21: {  	[tilespmem:$0x1C0] =	vst v1  }
0x22: {  	[tilespmem:$0x1D0] =	vst v1  }
0x23: {  	[tilespmem:$0x1E0] =	vst v1  }
0x24: {  	[tilespmem:$0x1F0] =	vst v1  }
0x25: {  	[tilespmem:$0x200] =	vst v1  }
0x26: {  	[tilespmem:$0x210] =	vst v1  }
0x27: {  	[tilespmem:$0x220] =	vst v1  }
0x28: {  	[tilespmem:$0x230] =	vst v1  }
0x29: {  	[tilespmem:$0x240] =	vst v1  }
0x2a: {  	[tilespmem:$0x250] =	vst v1  }
0x2b: {  	[tilespmem:$0x260] =	vst v1  }
0x2c: {  	[tilespmem:$0x270] =	vst v1  }
0x2d: {  	[tilespmem:$0x280] =	vst v1  }
0x2e: {  	[tilespmem:$0x290] =	vst v1  }
0x2f: {  	[tilespmem:$0x2A0] =	vst v1  }
0x30: {  	[tilespmem:$0x2B0] =	vst v1  }
0x31: {  	[tilespmem:$0x2C0] =	vst v1  }
0x32: {  	[tilespmem:$0x2D0] =	vst v1  }
0x33: {  	[tilespmem:$0x2E0] =	vst v1  }
0x34: {  	[tilespmem:$0x2F0] =	vst v1  }
0x35: {  	[tilespmem:$0x300] =	vst v1  }
0x36: {  	[tilespmem:$0x310] =	vst v1  }
0x37: {  	[tilespmem:$0x320] =	vst v1  }
0x38: {  	[tilespmem:$0x330] =	vst v1  }
0x39: {  	[tilespmem:$0x340] =	vst v1  }
0x3a: {  	[tilespmem:$0x350] =	vst v1  }
0x3b: {  	[tilespmem:$0x360] =	vst v1  }
0x3c: {  	[tilespmem:$0x370] =	vst v1  }
0x3d: {  	[spmem:s4] =	stream.linear.scatter [tilespmem:s8], [sflag:$0x1], $0x280, $0x38;
	[tilespmem:$0x600] =	vst v63  }
0x3e: {  	_ =	swait.ge [sflag:s9], $0x280  }
0x3f: {  	[sflag:s9] =	ssyncset.done $0x0  }
0x40: {  	[sflag:s9] =	ssyncadd.s32 $0xFFFFFD80  }
0x41: {  	s17 =	sadd.s32 $0x0, s7;
	[bflag:$0x0] =	sbarrier.arrive $0xFFFF  }
0x42: {  	[tilespmem:s3], [sflag:$0x1] =	stream.linear.gather [hbm4b:s17+s3], $0x50, $0x38;
	[tilespmem:$0x600] =	vst v63  }
0x43: {  	_ =	swait.ge [sflag:s9], $0x50  }
0x44: {  	[sflag:s9] =	ssyncset.done $0x0  }
0x45: {  	[sflag:s9] =	ssyncadd.s32 $0xFFFFFFB0  }
0x46: {  	[spmem:s2] =	stream.indirect.scatter.add.f32 [tilespmem:s11], [sflag:$0x1], $0x1, s3, s10, $0xb8;
	[tilespmem:$0x600] =	vst v63  }
0x47: {  	_ =	swait.ge [sflag:s9], $0x50  }
0x48: {  	s18 =	simm.s32 $0x14;
	s17 =	simm.s32 $0xA;
	[sflag:s9] =	ssyncset.done $0x0  }
.LBB2_2:
0x49: {  	s19 =	sadd.s32 s17, s7  }
0x4a: {  	[sflag:s9] =	ssyncadd.s32 $0xFFFFFFB0;
	s17 =	smov.u32 s18;
	s20 =	sadd.s32 $0xA, s18  }
0x4b: {  	[tilespmem:s3], [sflag:$0x1] =	stream.linear.gather [hbm4b:s19+s3], $0x50, $0x38;
	[tilespmem:$0x600] =	vst v63  }
0x4c: {  	p0 =	sne.s32 s18, $0x4D8;
	_ =	swait.ge [sflag:s9], $0x50  }
.Ltmp0:
0x4d: {  	[sflag:s9] =	ssyncset.done $0x0;
	(pc) =	sbr.rel @p0 .LBB2_2-.Ltmp0, $4  }
0x4e: {  	[sflag:s9] =	ssyncadd.s32 $0xFFFFFFB0  }
0x4f: {  	[spmem:s2] =	stream.indirect.scatter.add.f32 [tilespmem:s11], [sflag:$0x1], $0x1, s3, s10, $0xb8;
	[tilespmem:$0x600] =	vst v63  }
0x50: {  	_ =	swait.ge [sflag:s9], $0x50  }
0x51: {  	s18 =	smov.u32 s20;
	[sflag:s9] =	ssyncset.done $0x0  }
0x52: {  	s17 =	sadd.s32 s17, s7;
	[sflag:s9] =	ssyncadd.s32 $0xFFFFFFB0  }
0x53: {  	[tilespmem:s3], [sflag:$0x1] =	stream.linear.gather [hbm4b:s17+s3], $0x50, $0x38;
	[tilespmem:$0x600] =	vst v63  }
0x54: {  	_ =	swait.ge [sflag:s9], $0x50  }
0x55: {  	[sflag:s9] =	ssyncset.done $0x0  }
0x56: {  	[sflag:s9] =	ssyncadd.s32 $0xFFFFFFB0  }
0x57: {  	[spmem:s2] =	stream.indirect.scatter.add.f32 [tilespmem:s11], [sflag:$0x1], $0x1, s3, s10, $0xb8;
	[tilespmem:$0x600] =	vst v63  }
0x58: {  	_ =	swait.ge [sflag:s9], $0x50  }
0x59: {  	s16 =	sadd.s32 $0x1, s16;
	[sflag:s9] =	ssyncset.done $0x0  }
0x5a: {  	p0 =	sne.s32 s16, s6;
	[sflag:s9] =	ssyncadd.s32 $0xFFFFFFB0  }
.Ltmp1:
0x5b: {  	[bflag:$0x0] =	sbarrier.arrive $0xFFFF;
	(pc) =	sbr.rel @p0 .LBB2_1-.Ltmp1, $4  }
0x5c: {  	[hbm:s5@s14], [sflag:s12] =	dma.strided [spmem:s13@s15], $0x50, s9, $0x10   }
0x5d: {  	_ =	swait.ge [sflag:s9], $0x50  }
0x5e: {  	[sflag:s9] =	ssyncset.done $0x0  }
0x5f: {  	[sflag:s9] =	ssyncadd.s32 $0xFFFFFFB0  }
0x60: {  	_ =	sfence.sel $0x180000  }
0x61: {  	[bflag:$0x0] =	sbarrier.arrive $0xFFFF  }
0x62: {  	p0 =	sne.s32 s1, $0x0;
	_ =	strace $0x90000047  }
0x63: {  	s0 =	sadd.s32 @!p0 $0x100000, s0;
	[bflag:$0x2] =	sbarrier.arrive $0xFFFF  }
0x64: {  	[sflag:s0] =	ssyncadd.tile.s32 @!p0 $0x1;
	_ =	shalt  }
.Lfunc_end2:
_tile_overlayer_lowered:
.L_overlay_start_2:
0x65: {  	(tag) =	ssettag $0x2  }
0x66: {  	s0 =	rddreg [dreg:$0x0];
	s2 =	stileid.u32  }
0x67: {  	s1 =	rddreg [dreg:$0x1];
	p0 =	sne.s32 s2, $0x0  }
0x68: {  	s3 =	rddreg [dreg:$0x2];
	[bflag:$0x3] =	sbarrier.arrive $0xFFFF;
	s2 =	simm.s32 @!p0 $0x1C01  }
0x69: {  	[timem:s3], [sflag:s2] =	dma.local @!p0 [hbm:s0], s1  }
0x6a: {  	s0 =	simm.s32 @!p0 $0x1  }
0x6b: {  	_ =	swait.ge @!p0 [sflag:s0], s1  }
0x6c: {  	s1 =	ssub.s32 @!p0 $0x0, s1;
	[sflag:s0] =	ssyncset.done @!p0 $0x0  }
0x6d: {  	[sflag:s0] =	ssyncadd.s32 @!p0 s1  }
0x6e: {  	[bflag:$0x3] =	sbarrier.arrive $0xFFFF  }
0x6f: {  	_ =	shalt  }

</sc_bundles>
